<compile_context>
chip_gen: v7x
topology: tpu7x:2x2x1
jax: 0.10.2.dev20260603
libtpu: 0.0.44.dev20260713+nightly
codegen_flags: <defaults>
</compile_context>

<pallas_src>
import functools

import jax
import jax.numpy as jnp
from jax import lax
from jax.experimental import pallas as pl
from jax.experimental.pallas import tpu as pltpu
from jax.experimental.pallas import tpu_sc as plsc

B, D, O, E, K = 8192, 768, 768, 8, 2
NSLOT = 16384
NW = 32
SPW = NSLOT // NW
CH = 32
NCH = SPW // CH


def kernel(insample_y, Wg, bg, We, be):
    mesh = plsc.VectorSubcoreMesh(core_axis_name="c", subcore_axis_name="s")

    @functools.partial(
        pl.kernel,
        mesh=mesh,
        out_type=jax.ShapeDtypeStruct((NSLOT, D), jnp.float32),
        scratch_types=[
            pltpu.VMEM((SPW,), jnp.int32),
            pltpu.VMEM((CH, D), jnp.float32),
            pltpu.SemaphoreType.DMA,
        ],
    )
    def gather_k(x_hbm, out_hbm, idx_v, buf0, sem0):
        wid = lax.axis_index("s") * 2 + lax.axis_index("c")
        base = wid * SPW

        def gen(i, _):
            lane = lax.iota(jnp.int32, 16)
            v = (base + i * 16 + lane) * jnp.int32(-1640531527)
            v = jnp.bitwise_and(v, jnp.int32(8191))
            idx_v[pl.ds(i * 16, 16)] = v
            return 0

        lax.fori_loop(0, SPW // 16, gen, 0, unroll=4)

        def body(c, _):
            cp = pltpu.make_async_copy(
                x_hbm.at[idx_v.at[pl.ds(c * CH, CH)]], buf0, sem0
            )
            cp.start()
            cp.wait()
            pltpu.sync_copy(buf0, out_hbm.at[pl.ds(base + c * CH, CH)])
            return 0

        lax.fori_loop(0, NCH, body, 0)

    return gather_k(insample_y)

# --- scband reference (transcript-rebuilt; emitter-appended) ---
"""Pipeline reference for scband-sparse-pooling-24257975288243 (READ-ONLY COPY).

The authoritative reference and input builder live on the scoring server;
editing this copy changes nothing except your own understanding.
"""

import jax, jax.numpy as jnp
import numpy as np

B, D, O, E, K = 8192, 768, 768, 8, 2

def setup_inputs(seed: int = 0) -> dict:
    key = jax.random.key(seed)
    ks = jax.random.split(key, 4)
    insample_y = jax.random.normal(ks[0], (B, D), dtype=jnp.float32)
    Wg = jax.random.normal(ks[1], (D, E), dtype=jnp.float32) * 0.02
    bg = jnp.zeros((E,), dtype=jnp.float32)
    We = jax.random.normal(ks[2], (E, D, O), dtype=jnp.float32) * 0.02
    be = jnp.zeros((E, O), dtype=jnp.float32)
    return {"insample_y": insample_y, "Wg": Wg, "bg": bg, "We": We, "be": be}

def reference(insample_y, Wg, bg, We, be):
    # gate(insample_y) -> logits over experts
    gate_logits = insample_y @ Wg + bg
    # top-k expert selection per token
    topk_values, topk_indices = jax.lax.top_k(gate_logits, K)
    # softmax over the selected top-k logits (dim=1)
    gate_probs = jax.nn.softmax(topk_values, axis=1)
    weighted_sum = jnp.zeros((insample_y.shape[0], O), dtype=jnp.float32)
    for expert_idx in range(E):
        expert_mask = (topk_indices == expert_idx).astype(jnp.float32)
        expert_weight = (gate_probs * expert_mask).sum(axis=1)
        expert_output = insample_y @ We[expert_idx] + be[expert_idx]
        weighted_sum = weighted_sum + expert_output * expert_weight[:, None]
    return weighted_sum

if __name__ == "__main__":
    import jax
    _d = setup_inputs()
    print(jax.jit(kernel)(*tuple(_d.values())))

</pallas_src>

<mosaic_0001>
#map = affine_map<(d0, d1) -> (0, 0)>
module attributes {stable_mosaic.version = 14 : i64} {
  func.func @gather_k(%arg0: i32, %arg1: i32, %arg2: memref<8192x768xf32, #tpu.memory_space<hbm>>, %arg3: memref<16384x768xf32, #tpu.memory_space<hbm>>, %arg4: memref<512xi32, #tpu.memory_space<vmem>>, %arg5: memref<32x768xf32, #tpu.memory_space<vmem>>, %arg6: memref<!tpu.dma_semaphore, #tpu.memory_space<semaphore_mem>>) attributes {dimension_semantics = [#tpu.dimension_semantics<core_parallel>, #tpu.dimension_semantics<subcore_parallel>], iteration_bounds = array<i64: 2, 16>, scalar_prefetch = 0 : i64, scratch_operands = 3 : i64, tpu.core_type = #tpu.core_type<sc_vector_subcore>, window_params = [{transform_indices = #map}, {transform_indices = #map}]} {
    %mul3A = arith.constant 2 : i32
    %mul3A_0 = arith.muli %arg1, %mul3A : i32
    %add3A = arith.addi %mul3A_0, %arg0 : i32
    %mul3A_1 = arith.constant 512 : i32
    %mul3A_2 = arith.muli %add3A, %mul3A_1 : i32
    %scan3A = arith.constant 0 : i32
    %scan3A_3 = arith.constant 0 : i32
    %scan3A_4 = arith.constant 32 : i32
    %scan3A_5 = arith.addi %scan3A_3, %scan3A_4 : i32
    %scan3A_6 = arith.constant 4 : i32
    %scan3A_7 = scf.for %scan3A_16 = %scan3A_3 to %scan3A_5 step %scan3A_6 iter_args(%scan3A_17 = %scan3A) -> (i32)  : i32 {
      %iota3A = tpu.iota {dimensions = array<i32: 0>} : vector<16xi32>
      %mul3A_18 = arith.constant 16 : i32
      %mul3A_19 = arith.muli %scan3A_16, %mul3A_18 : i32
      %add3A_20 = arith.addi %mul3A_2, %mul3A_19 : i32
      %add3A_21 = vector.broadcast %add3A_20 : i32 to vector<16xi32>
      %add3A_22 = arith.addi %add3A_21, %iota3A : vector<16xi32>
      %mul3A_23 = arith.constant -1640531527 : i32
      %mul3A_24 = vector.broadcast %mul3A_23 : i32 to vector<16xi32>
      %mul3A_25 = arith.muli %add3A_22, %mul3A_24 : vector<16xi32>
      %and3A = arith.constant 8191 : i32
      %and3A_26 = vector.broadcast %and3A : i32 to vector<16xi32>
      %and3A_27 = arith.andi %mul3A_25, %and3A_26 : vector<16xi32>
      %mul3A_28 = arith.constant 16 : i32
      %mul3A_29 = arith.muli %scan3A_16, %mul3A_28 : i32
      %swap3A = arith.index_cast %mul3A_29 : i32 to index
      %swap3A_30 = tpu.vector_load %arg4[%swap3A] {strides = array<i32>} : memref<512xi32, #tpu.memory_space<vmem>>, vector<16xi32>,
      %swap3A_31 = vector.shape_cast %swap3A_30 : vector<16xi32> to vector<16xi32>
      %swap3A_32 = vector.shape_cast %and3A_27 : vector<16xi32> to vector<16xi32>
      tpu.vector_store %arg4[%swap3A], %swap3A_32 {strides = array<i32>} : memref<512xi32, #tpu.memory_space<vmem>>, vector<16xi32>,
      %scan3A_33 = arith.constant 0 : i32
      %scan3A_34 = arith.constant 1 : i32
      %scan3A_35 = arith.addi %scan3A_16, %scan3A_34 : i32
      %iota3A_36 = tpu.iota {dimensions = array<i32: 0>} : vector<16xi32>
      %mul3A_37 = arith.constant 16 : i32
      %mul3A_38 = arith.muli %scan3A_35, %mul3A_37 : i32
      %add3A_39 = arith.addi %mul3A_2, %mul3A_38 : i32
      %add3A_40 = vector.broadcast %add3A_39 : i32 to vector<16xi32>
      %add3A_41 = arith.addi %add3A_40, %iota3A_36 : vector<16xi32>
      %mul3A_42 = arith.constant -1640531527 : i32
      %mul3A_43 = vector.broadcast %mul3A_42 : i32 to vector<16xi32>
      %mul3A_44 = arith.muli %add3A_41, %mul3A_43 : vector<16xi32>
      %and3A_45 = arith.constant 8191 : i32
      %and3A_46 = vector.broadcast %and3A_45 : i32 to vector<16xi32>
      %and3A_47 = arith.andi %mul3A_44, %and3A_46 : vector<16xi32>
      %mul3A_48 = arith.constant 16 : i32
      %mul3A_49 = arith.muli %scan3A_35, %mul3A_48 : i32
      %swap3A_50 = arith.index_cast %mul3A_49 : i32 to index
      %swap3A_51 = tpu.vector_load %arg4[%swap3A_50] {strides = array<i32>} : memref<512xi32, #tpu.memory_space<vmem>>, vector<16xi32>,
      %swap3A_52 = vector.shape_cast %swap3A_51 : vector<16xi32> to vector<16xi32>
      %swap3A_53 = vector.shape_cast %and3A_47 : vector<16xi32> to vector<16xi32>
      tpu.vector_store %arg4[%swap3A_50], %swap3A_53 {strides = array<i32>} : memref<512xi32, #tpu.memory_space<vmem>>, vector<16xi32>,
      %scan3A_54 = arith.constant 0 : i32
      %scan3A_55 = arith.constant 2 : i32
      %scan3A_56 = arith.addi %scan3A_16, %scan3A_55 : i32
      %iota3A_57 = tpu.iota {dimensions = array<i32: 0>} : vector<16xi32>
      %mul3A_58 = arith.constant 16 : i32
      %mul3A_59 = arith.muli %scan3A_56, %mul3A_58 : i32
      %add3A_60 = arith.addi %mul3A_2, %mul3A_59 : i32
      %add3A_61 = vector.broadcast %add3A_60 : i32 to vector<16xi32>
      %add3A_62 = arith.addi %add3A_61, %iota3A_57 : vector<16xi32>
      %mul3A_63 = arith.constant -1640531527 : i32
      %mul3A_64 = vector.broadcast %mul3A_63 : i32 to vector<16xi32>
      %mul3A_65 = arith.muli %add3A_62, %mul3A_64 : vector<16xi32>
      %and3A_66 = arith.constant 8191 : i32
      %and3A_67 = vector.broadcast %and3A_66 : i32 to vector<16xi32>
      %and3A_68 = arith.andi %mul3A_65, %and3A_67 : vector<16xi32>
      %mul3A_69 = arith.constant 16 : i32
      %mul3A_70 = arith.muli %scan3A_56, %mul3A_69 : i32
      %swap3A_71 = arith.index_cast %mul3A_70 : i32 to index
      %swap3A_72 = tpu.vector_load %arg4[%swap3A_71] {strides = array<i32>} : memref<512xi32, #tpu.memory_space<vmem>>, vector<16xi32>,
      %swap3A_73 = vector.shape_cast %swap3A_72 : vector<16xi32> to vector<16xi32>
      %swap3A_74 = vector.shape_cast %and3A_68 : vector<16xi32> to vector<16xi32>
      tpu.vector_store %arg4[%swap3A_71], %swap3A_74 {strides = array<i32>} : memref<512xi32, #tpu.memory_space<vmem>>, vector<16xi32>,
      %scan3A_75 = arith.constant 0 : i32
      %scan3A_76 = arith.constant 3 : i32
      %scan3A_77 = arith.addi %scan3A_16, %scan3A_76 : i32
      %iota3A_78 = tpu.iota {dimensions = array<i32: 0>} : vector<16xi32>
      %mul3A_79 = arith.constant 16 : i32
      %mul3A_80 = arith.muli %scan3A_77, %mul3A_79 : i32
      %add3A_81 = arith.addi %mul3A_2, %mul3A_80 : i32
      %add3A_82 = vector.broadcast %add3A_81 : i32 to vector<16xi32>
      %add3A_83 = arith.addi %add3A_82, %iota3A_78 : vector<16xi32>
      %mul3A_84 = arith.constant -1640531527 : i32
      %mul3A_85 = vector.broadcast %mul3A_84 : i32 to vector<16xi32>
      %mul3A_86 = arith.muli %add3A_83, %mul3A_85 : vector<16xi32>
      %and3A_87 = arith.constant 8191 : i32
      %and3A_88 = vector.broadcast %and3A_87 : i32 to vector<16xi32>
      %and3A_89 = arith.andi %mul3A_86, %and3A_88 : vector<16xi32>
      %mul3A_90 = arith.constant 16 : i32
      %mul3A_91 = arith.muli %scan3A_77, %mul3A_90 : i32
      %swap3A_92 = arith.index_cast %mul3A_91 : i32 to index
      %swap3A_93 = tpu.vector_load %arg4[%swap3A_92] {strides = array<i32>} : memref<512xi32, #tpu.memory_space<vmem>>, vector<16xi32>,
      %swap3A_94 = vector.shape_cast %swap3A_93 : vector<16xi32> to vector<16xi32>
      %swap3A_95 = vector.shape_cast %and3A_89 : vector<16xi32> to vector<16xi32>
      tpu.vector_store %arg4[%swap3A_92], %swap3A_95 {strides = array<i32>} : memref<512xi32, #tpu.memory_space<vmem>>, vector<16xi32>,
      %scan3A_96 = arith.constant 0 : i32
      scf.yield %scan3A_96 : i32
    }
    %scan3A_8 = arith.constant 32 : i32
    %scan3A_9 = arith.constant 0 : i32
    %scan3A_10 = arith.constant 0 : i32
    %scan3A_11 = arith.constant 16 : i32
    %scan3A_12 = arith.addi %scan3A_10, %scan3A_11 : i32
    %scan3A_13 = arith.constant 1 : i32
    %scan3A_14 = scf.for %scan3A_16 = %scan3A_10 to %scan3A_12 step %scan3A_13 iter_args(%scan3A_17 = %scan3A_9) -> (i32)  : i32 {
      %mul3A_18 = arith.constant 32 : i32
      %mul3A_19 = arith.muli %scan3A_16, %mul3A_18 : i32
      %dma_start3A = tpu.memref_slice %arg4[%mul3A_19] : memref<512xi32, #tpu.memory_space<vmem>> -> memref<32xi32, #tpu.memory_space<vmem>>
      %dma_start3A_20 = arith.constant 0 : i32
      %dma_start3A_21 = arith.constant 0 : i32
      %dma_start3A_22 = tpu.memref_slice %arg2[%dma_start3A_20, %dma_start3A_21] : memref<8192x768xf32, #tpu.memory_space<hbm>> -> memref<8192x768xf32, #tpu.memory_space<hbm>>
      tpu.enqueue_indirect_dma source(%dma_start3A_22 : memref<8192x768xf32, #tpu.memory_space<hbm>>) target(%arg5 : memref<32x768xf32, #tpu.memory_space<vmem>>) offsets(%dma_start3A : memref<32xi32, #tpu.memory_space<vmem>>) semaphore(%arg6 : memref<!tpu.dma_semaphore, #tpu.memory_space<semaphore_mem>>)
      %dma_wait3A = tpu.memref_slice %arg4[%mul3A_19] : memref<512xi32, #tpu.memory_space<vmem>> -> memref<32xi32, #tpu.memory_space<vmem>>
      %dma_wait3A_23 = arith.constant 0 : i32
      %dma_wait3A_24 = arith.constant 0 : i32
      %dma_wait3A_25 = tpu.memref_slice %arg2[%dma_wait3A_23, %dma_wait3A_24] : memref<8192x768xf32, #tpu.memory_space<hbm>> -> memref<8192x768xf32, #tpu.memory_space<hbm>>
      tpu.wait_indirect_dma semaphore(%arg6 : memref<!tpu.dma_semaphore, #tpu.memory_space<semaphore_mem>>) src(%dma_wait3A_25 : memref<8192x768xf32, #tpu.memory_space<hbm>>) dst(%arg5 : memref<32x768xf32, #tpu.memory_space<vmem>>)
      %mul3A_26 = arith.constant 32 : i32
      %mul3A_27 = arith.muli %scan3A_16, %mul3A_26 : i32
      %add3A_28 = arith.addi %mul3A_2, %mul3A_27 : i32
      "tpu.region"() ({
        %run_scoped3A = tpu.sem_alloc : memref<!tpu.dma_semaphore, #tpu.memory_space<semaphore_mem>>
        %dma_start3A_30 = arith.constant 0 : i32
        %dma_start3A_31 = tpu.memref_slice %arg3[%add3A_28, %dma_start3A_30] : memref<16384x768xf32, #tpu.memory_space<hbm>> -> memref<32x768xf32, #tpu.memory_space<hbm>>
        %dma_start3A_32 = arith.constant 0 : i32
        %dma_start3A_33 = tpu.memref_slice %arg3[%add3A_28, %dma_start3A_32] : memref<16384x768xf32, #tpu.memory_space<hbm>> -> memref<32x768xf32, #tpu.memory_space<hbm>>
        tpu.enqueue_dma source(%arg5 : memref<32x768xf32, #tpu.memory_space<vmem>>) target(%dma_start3A_33 : memref<32x768xf32, #tpu.memory_space<hbm>>) target_semaphore(%run_scoped3A : memref<!tpu.dma_semaphore, #tpu.memory_space<semaphore_mem>>)
        %dma_wait3A_34 = arith.constant 0 : i32
        %dma_wait3A_35 = tpu.memref_slice %arg3[%add3A_28, %dma_wait3A_34] : memref<16384x768xf32, #tpu.memory_space<hbm>> -> memref<32x768xf32, #tpu.memory_space<hbm>>
        %dma_wait3A_36 = arith.constant 0 : i32
        %dma_wait3A_37 = tpu.memref_slice %arg3[%add3A_28, %dma_wait3A_36] : memref<16384x768xf32, #tpu.memory_space<hbm>> -> memref<32x768xf32, #tpu.memory_space<hbm>>
        tpu.wait_dma2 semaphore(%run_scoped3A : memref<!tpu.dma_semaphore, #tpu.memory_space<semaphore_mem>>) src(%arg5 : memref<32x768xf32, #tpu.memory_space<vmem>>) dst(%dma_wait3A_37 : memref<32x768xf32, #tpu.memory_space<hbm>>)
        tpu.yield
      }) : () -> ()
      %scan3A_29 = arith.constant 0 : i32
      scf.yield %scan3A_29 : i32
    }
    %scan3A_15 = arith.constant 16 : i32
    return
  }
}

</mosaic_0001>

<sc_bundles>
// kernel: kernel.3.cloned.1.call-start
scs
__scs_entry_jumppad:
0x0: {  	(pc) =	sbr.rel $0x88, $3  }
0x1: {  	(tag) =	ssettag $0x0;
	lr =	simm.s32 $0x1  }
0x2: {  	[smem:$0x3FA0] =	sst lr;
	_ =	strace $0xD0000000  }
0x3: {  	_ = 	snop  }
0x4: {  	_ = 	snop  }
0x5: {  	_ = 	snop  }
0x6: {  	_ = 	snop  }
0x7: {  	_ = 	snop  }
__scs_overlays_trampoline_lowered:
0x8: {  	[smem:$0x3FAF] =	sst s0  }
0x9: {  	[smem:$0x3FB0] =	sst s1  }
0xa: {  	[smem:$0x3FB1] =	sst s2  }
0xb: {  	[smem:$0x3FB2] =	sst s3  }
0xc: {  	[smem:$0x3FB3] =	sst s4  }
0xd: {  	[smem:$0x3FB4] =	sst s5  }
0xe: {  	[smem:$0x3FB5] =	sst s6  }
0xf: {  	[smem:$0x3FB6] =	sst s7  }
0x10: {  	[smem:$0x3FB7] =	sst s8  }
0x11: {  	[smem:$0x3FB8] =	sst s9;
	s0 =	simm.s32 @!p0 $0x0  }
0x12: {  	s1 =	sld [smem:$0x3F9E];
	s0 =	simm.s32 @p0 $0x1  }
0x13: {  	[smem:$0x3FB9] =	sst s0;
	s0 =	simm.s32 @!p1 $0x0  }
0x14: {  	s2 =	sld [smem:$0x3F9D];
	s0 =	simm.s32 @p1 $0x1  }
0x15: {  	[smem:$0x3FBA] =	sst s0;
	s0 =	simm.s32 @!p2 $0x0  }
0x16: {  	s3 =	sld [smem:$0x3FDB];
	s0 =	simm.s32 @p2 $0x1  }
0x17: {  	s4 =	simm.s32 $0x1BF5;
	[smem:$0x3FBC] =	sst s0  }
0x18: {  	s0 =	sld [smem:$0x3F9F];
	_ =	swait.ge [sflag:s4], $0x0  }
0x19: {  	s7 =	sld [smem:$0x3FA0]  }
0x1a: {  	s8 =	sadd.s32 $0xFFFFE003, lr  }
0x1b: {  	s9 =	sadd.s32 $0xFFFFFEF7, lr;
	s5 =	simm.s32 $0xFFFFFFFF;
	p2 =	slt.u32 s8, $0xFFFFF086  }
0x1c: {  	p1 =	slt.u32 s9, $0xF7A;
	s5 =	simm.s32 @!p2 $0x0  }
0x1d: {  	s5 =	simm.s32 @p1 $0x1;
	p0 =	seq.s32 s7, s2  }
0x1e: {  	s7 =	smul.u32 @!p0 $0xF7A, s2;
	p2 =	seq.s32 @!p0 s5, $0x0  }
0x1f: {  	s9 =	smul.u32 $0xF7A, s1;
	s8 =	simm.s32 @!p0 $0x1BF5;
	p2 =	por !p2, p0  }
0x20: {  	[sflag:s8] =	ssyncset.s32 @!p0 $0xFFFFF086;
	s6 =	sadd.s32 @!p0 s3, s7;
	s7 =	simm.s32 @!p0 $0x108  }
0x21: {  	s3 =	sadd.s32 s3, s9;
	s6 =	sadd.s32 @!p0 $0x88, s6;
	s7 =	simm.s32 @p2 $0x1082  }
0x22: {  	[simem:s7], [sflag:s8] =	dma.local @!p0 [hbm:s6], $0xF7A  }
0x23: {  	s9 =	sor.u32 $0xD0000000, s2;
	s6 =	simm.s32 $0x108;
	_ =	swait.ge @!p0 [sflag:s8], $0x0  }
0x24: {  	s3 =	sadd.s32 $0x88, s3;
	s6 =	simm.s32 @!p1 $0x1082;
	[sflag:s4] =	ssyncset.s32 $0xFFFFF086  }
0x25: {  	[simem:s6], [sflag:s4] =	dma.local [hbm:s3], $0xF7A  }
0x26: {  	[smem:$0x3FA0] =	sst s1;
	(tag) =	ssettag s2;
	_ =	strace s9  }
0x27: {  	s1 =	sld [smem:$0x3FB0]  }
0x28: {  	s2 =	sld [smem:$0x3FB1]  }
0x29: {  	s4 =	sld [smem:$0x3FB3]  }
0x2a: {  	p0 =	seq.s32 s5, $0x0;
	s5 =	sld [smem:$0x3FB4]  }
0x2b: {  	s6 =	sld [smem:$0x3FB5]  }
0x2c: {  	s7 =	sld [smem:$0x3FB6]  }
0x2d: {  	s3 =	simm.s32 $0x108;
	s8 =	sld [smem:$0x3FB7]  }
0x2e: {  	s3 =	simm.s32 @!p0 $0x1082;
	s9 =	sld [smem:$0x3FB8]  }
0x2f: {  	lr =	sadd.s32 s0, s3;
	s0 =	sld [smem:$0x3FAF]  }
0x30: {  	s3 =	sld [smem:$0x3FB2]  }
0x31: {  	[smem:$0x3FBB] =	sst s10  }
0x32: {  	s10 =	sld [smem:$0x3FB9];
	_ =	sdelay $0x3  }
0x33: {  	p0 =	seq.s32 s10, $0x1;
	s10 =	sld [smem:$0x3FBB];
	_ =	sdelay $0x3  }
0x34: {  	[smem:$0x3FBB] =	sst s10  }
0x35: {  	s10 =	sld [smem:$0x3FBA];
	_ =	sdelay $0x3  }
0x36: {  	p1 =	seq.s32 s10, $0x1;
	s10 =	sld [smem:$0x3FBB];
	_ =	sdelay $0x3  }
0x37: {  	[smem:$0x3FBB] =	sst s10  }
0x38: {  	s10 =	sld [smem:$0x3FBC]  }
0x39: {  	_ = 	snop;
	(pc) =	sbr.ind lr, $3  }
0x3a: {  	_ = 	snop  }
0x3b: {  	_ = 	snop  }
0x3c: {  	p2 =	seq.s32 s10, $0x1;
	s10 =	sld [smem:$0x3FBB]  }
0x3d: {  	_ =	shalt  }
0x3e: {  	_ =	shalt  }
0x3f: {  	_ =	shalt  }
0x40: {  	_ =	shalt  }
0x41: {  	_ =	shalt  }
0x42: {  	_ =	shalt  }
0x43: {  	_ =	shalt  }
0x44: {  	_ =	shalt  }
0x45: {  	_ =	shalt  }
0x46: {  	_ =	shalt  }
0x47: {  	_ =	shalt  }
0x48: {  	_ =	shalt  }
0x49: {  	_ =	shalt  }
0x4a: {  	_ =	shalt  }
0x4b: {  	_ =	shalt  }
0x4c: {  	_ =	shalt  }
0x4d: {  	_ =	shalt  }
0x4e: {  	_ =	shalt  }
0x4f: {  	_ =	shalt  }
0x50: {  	_ =	shalt  }
0x51: {  	_ =	shalt  }
0x52: {  	_ =	shalt  }
0x53: {  	_ =	shalt  }
0x54: {  	_ =	shalt  }
0x55: {  	_ =	shalt  }
0x56: {  	_ =	shalt  }
0x57: {  	_ =	shalt  }
0x58: {  	_ =	shalt  }
0x59: {  	_ =	shalt  }
0x5a: {  	_ =	shalt  }
0x5b: {  	_ =	shalt  }
0x5c: {  	_ =	shalt  }
0x5d: {  	_ =	shalt  }
0x5e: {  	_ =	shalt  }
0x5f: {  	_ =	shalt  }
0x60: {  	_ =	shalt  }
0x61: {  	_ =	shalt  }
0x62: {  	_ =	shalt  }
0x63: {  	_ =	shalt  }
0x64: {  	_ =	shalt  }
0x65: {  	_ =	shalt  }
0x66: {  	_ =	shalt  }
0x67: {  	_ =	shalt  }
0x68: {  	_ =	shalt  }
0x69: {  	_ =	shalt  }
0x6a: {  	_ =	shalt  }
0x6b: {  	_ =	shalt  }
0x6c: {  	_ =	shalt  }
0x6d: {  	_ =	shalt  }
0x6e: {  	_ =	shalt  }
0x6f: {  	_ =	shalt  }
0x70: {  	_ =	shalt  }
0x71: {  	_ =	shalt  }
0x72: {  	_ =	shalt  }
0x73: {  	_ =	shalt  }
0x74: {  	_ =	shalt  }
0x75: {  	_ =	shalt  }
0x76: {  	_ =	shalt  }
0x77: {  	_ =	shalt  }
0x78: {  	_ =	shalt  }
0x79: {  	_ =	shalt  }
0x7a: {  	_ =	shalt  }
0x7b: {  	_ =	shalt  }
0x7c: {  	_ =	shalt  }
0x7d: {  	_ =	shalt  }
0x7e: {  	_ =	shalt  }
0x7f: {  	_ =	shalt  }
0x80: {  	_ =	shalt  }
0x81: {  	_ =	shalt  }
0x82: {  	_ =	shalt  }
0x83: {  	_ =	shalt  }
0x84: {  	_ =	shalt  }
0x85: {  	_ =	shalt  }
0x86: {  	_ =	shalt  }
0x87: {  	_ =	shalt  }
.Lfunc_end0:
.L_simem_size_0:
called_computation_lowered:
.L_overlay_start_0:
0x88: {  	s2 =	sld [smem:$0x3FD9]  }
0x89: {  	s3 =	sld [smem:$0x3FFE];
	_ =	sdelay $0x1  }
0x8a: {  	s1 =	srdreg.scid  }
0x8b: {  	s0 =	sand.u32 $0x1, s1  }
0x8c: {  	s18 =	sshll.u32 s0, $0xA;
	s2 =	sadd.s32 s3, s2  }
0x8d: {  	s2 =	sadd.s32 s2, s18  }
0x8e: {  	[smem:$0x3FC7] =	sst s2  }
0x8f: {  	_ = 	snop  }
0x90: {  	s2 =	sld [smem:$0x3FC9]  }
0x91: {  	s19 =	sld [smem:$0x3FD0];
	(tm) =	ssettm $0x1  }
0x92: {  	s4 =	sld [smem:$0x3FFB];
	_ =	sdelay $0x3  }
0x93: {  	_ =	strace s4  }
0x94: {  	s4 =	sld [smem:$0x3FFC];
	_ =	sdelay $0x3  }
0x95: {  	_ =	strace s4  }
0x96: {  	s4 =	sld [smem:$0x3FFD];
	_ =	sdelay $0x3  }
0x97: {  	_ =	strace s4  }
0x98: {  	_ =	strace $0x8FFFFFFF  }
0x99: {  	s20 =	sld [smem:$0x3FDB];
	_ =	sdelay $0x1  }
0x9a: {  	s5 =	simm.s32 $_scs_section_size  }
0x9b: {  	s6 =	simm.s32 $_size__tile_overlayer_lowered;
	s7 =	simm.s32 $_tile_overlayer_lowered  }
0x9c: {  	s23 =	simm.s32 $0x1BFF;
	s22 =	sshll.u32 s7, $0x1;
	s4 =	sadd.s32 s5, s20  }
0x9d: {  	s8 =	simm.s32 $0x0;
	s21 =	sshll.u32 s6, $0x1;
	s6 =	sadd.s32 s22, s4  }
0x9e: {  	[timem:s8], [sflag:s23] =	dma.local [hbm:s6], s21  }
0x9f: {  	_ =	swait.ge [sflag:s23], s21  }
0xa0: {  	s5 =	ssub.s32 $0x0, s21;
	[sflag:s23] =	ssyncset.done $0x0  }
0xa1: {  	[sflag:s23] =	ssyncadd.s32 s5;
	_ =	sdelay $0x1  }
0xa2: {  	s24 =	simm.s32 $0x1B8B  }
0xa3: {  	_ =	swait.ge [sflag:s24], $0x1  }
0xa4: {  	[sflag:s24] =	ssyncset.done $0x0  }
0xa5: {  	s25 =	simm.s32 $0x1B8E;
	[sflag:s24] =	ssyncadd.s32 $0xFFFFFFFF  }
0xa6: {  	s26 =	simm.s32 $execute0_lowered;
	[smem:$0x3FD2] =	sst s25  }
0xa7: {  	s5 =	sshll.u32 s26, $0x1;
	_ =	strace $0x80000046;
	[dreg:$0x1] =	wrdreg $0xFFFFFFFF  }
0xa8: {  	s28 =	simm.s32 $_size_execute0_lowered;
	s4 =	sadd.s32 s4, s5;
	[dreg:$0x0] =	wrdreg $0x0  }
0xa9: {  	s5 =	sshll.u32 s28, $0x1;
	[dreg:$0x2] =	wrdreg s4  }
0xaa: {  	[dreg:$0x3] =	wrdreg s5  }
0xab: {  	[dreg:$0x4] =	wrdreg $0xC0  }
0xac: {  	_ =	task [dreg:s8], $0x5FFFF  }
0xad: {  	[dreg:$0x1] =	wrdreg $0xFFFFFFFF  }
0xae: {  	[dreg:$0x0] =	wrdreg $0x60  }
0xaf: {  	[dreg:$0x2] =	wrdreg s2  }
0xb0: {  	[dreg:$0x3] =	wrdreg s19  }
0xb1: {  	[dreg:$0x4] =	wrdreg $0x9  }
0xb2: {  	_ =	task.clear_ibuf [dreg:s8], $0x5FFFF;
	_ =	strace $0x90000046  }
0xb3: {  	s29 =	simm.s32 $0x9;
	_ =	strace $0x80000048  }
0xb4: {  	_ =	swait.ge [sflag:s29], $0x1  }
0xb5: {  	[sflag:s29] =	ssyncadd.s32 $0xFFFFFFFF  }
0xb6: {  	_ =	strace $0x90000048  }
0xb7: {  	_ =	sfence  }
0xb8: {  	s30 =	sld [smem:$0x0];
	_ =	sdelay $0x2  }
0xb9: {  	s31 =	sshll.u32 s1, $0xD;
	s1 =	sshrl.u32 s1, $0x2  }
0xba: {  	s3 =	sand.u32 $0x4000, s31;
	s1 =	sadd.s32 s1, s30  }
0xbb: {  	s0 =	sor.u32 s3, s0;
	s1 =	sshll.u32 s1, $0x11  }
0xbc: {  	s0 =	sor.u32 s1, s0  }
0xbd: {  	s0 =	sadd.s32 $0x8F2B, s0  }
0xbe: {  	[sflag:s0] =	ssyncadd.remote.s32 $0x1  }
0xbf: {  	_ =	sfence.sel $0xFFFF  }
0xc0: {  	[dreg:$0x0] =	wrdreg $0xFFFFFFFF;
	(pc) =	sbr.abs _section_cstart, $3  }
0xc1: {  	[dreg:$0x1] =	wrdreg $0xFFFFFFFF  }
0xc2: {  	_ =	task.clear_ibuf [dreg:s8], $0x2FFFF;
	_ =	strace $0x9FFFFFFF  }
0xc3: {  	(tm) =	ssettm $0x7FFFFFFF  }
tec
execute0_lowered:
.L_overlay_start_1:
0x0: {  	(tag) =	ssettag $0x1  }
0x1: {  	s1 =	srdreg.scid;
	s2 =	rddreg [dreg:$0x0]  }
0x2: {  	s0 =	stileid.u32;
	s8 =	rddreg [dreg:$0x1]  }
0x3: {  	s3 =	simm.s32 $0x0;
	s10 =	simm.s32 $0xA00;
	s11 =	simm.s32 $0x1200  }
0x4: {  	s12 =	simm.s32 $0x1A00;
	s13 =	simm.s32 $0x2200;
	s14 =	simm.s32 $0x2A00  }
0x5: {  	s15 =	simm.s32 $0x3200;
	s16 =	simm.s32 $0x3A00;
	s17 =	simm.s32 $0x4200  }
0x6: {  	s18 =	simm.s32 $0x4A00;
	s19 =	simm.s32 $0x5200;
	s20 =	simm.s32 $0x5A00  }
0x7: {  	s21 =	simm.s32 $0x1;
	s22 =	simm.s32 $0x2;
	s4 =	sand.u32 $0x1, s1  }
0x8: {  	s23 =	simm.s32 $0x0;
	s5 =	sshll.u32 s0, $0xA;
	s6 =	sshll.u32 s4, $0x9  }
0x9: {  	s1 =	rddreg [dreg:$0x2];
	s4 =	ssub.s32 $0x2, s4;
	s7 =	sor.u32 s6, s5  }
0xa: {  	[smem:$0x7FF] =	sst s3;
	s31 =	sshrl.u32 s4, $0x1;
	s5 =	sshrl.u32 s7, $0x3  }
0xb: {  	v3 =	vlaneseq.u32;
	_ =	strace $0x80000047;
	s6 =	ssub.s32 s4, s31;
	s9 =	smul.u32 $0x300, s5  }
0xc: {  	vm0 =	vmmov $0xffff;
	v0 =	vmul.u32 $0x9E3779B9, v3;
	v2 =	vshrl.u32 v3, $0x3;
	s4 =	sadd.s32 $0x100, s2;
	s7 =	sor.u32 $0x30, s7;
	s5 =	sadd.s32 $0x200, s2  }
0xd: {  	v1 =	vand.u32 $0x7, v3;
	v3 =	vor.u32 $0x8, v3;
	v2 =	vmul.u32 $0x8, v2;
	s6 =	smax.u32 s6, $0x1;
	s8 =	sadd.s32 s9, s8;
	s9 =	simm.s32 $0x200  }
.LBB2_1:
0xe: {  	s24 =	sadd.s32 $0xFFFFFFF0, s7  }
0xf: {  	v4 =	vmov s7;
	s25 =	sadd.s32 $0xFFFFFFD0, s7;
	s29 =	sadd.s32 $0xFFFFFFE0, s7;
	v5 =	vmov s24  }
0x10: {  	s30 =	sadd.s32 $0x40, s7;
	v4 =	vmul.u32 $0x9E3779B9, v4;
	v6 =	vmov s25;
	v7 =	vmov s29  }
0x11: {  	s31 =	sadd.s32 $0xFFFFFFF0, s30;
	v8 =	vmov s30;
	v5 =	vmul.u32 $0x9E3779B9, v5;
	v6 =	vmul.u32 $0x9E3779B9, v6  }
0x12: {  	s26 =	sadd.s32 $0xFFFFFFD0, s30;
	v7 =	vmul.u32 $0x9E3779B9, v7;
	v9 =	vmov s31;
	v8 =	vmul.u32 $0x9E3779B9, v8  }
0x13: {  	v10 =	vmov s26;
	v4 =	vbroadcast v4, $0x0;
	v5 =	vbroadcast v5, $0x0  }
0x14: {  	v9 =	vmul.u32 $0x9E3779B9, v9;
	v10 =	vmul.u32 $0x9E3779B9, v10;
	v6 =	vbroadcast v6, $0x0  }
0x15: {  	v7 =	vbroadcast v7, $0x0;
	v4 =	vadd.s32 v0, v4;
	v5 =	vadd.s32 v0, v5  }
0x16: {  	s24 =	simm.s32 $0x20;
	s28 =	sadd.s32 $0xFFFFFFE0, s30;
	v8 =	vbroadcast v8, $0x0;
	v4 =	vand.u32 $0x1FFF, v4;
	v5 =	vand.u32 $0x1FFF, v5  }
0x17: {  	v6 =	vadd.s32 v0, v6;
	v7 =	vadd.s32 v0, v7;
	[tilespmem:s24+$0x0] =	vst v5;
	v5 =	vmov s28  }
0x18: {  	[tilespmem:s24+$0x10] =	vst v4;
	v63 =	vand.u32 $0x1FFF, v6;
	v4 =	vmul.u32 $0x9E3779B9, v5;
	v5 =	vbroadcast v9, $0x0  }
0x19: {  	v8 =	vadd.s32 v0, v8;
	v11 =	vand.u32 $0x1FFF, v7;
	v6 =	vbroadcast v10, $0x0;
	[tilespmem:s24+$0xFFFFFFE0] =	vst v63  }
0x1a: {  	s26 =	simm.s32 $0x4;
	s28 =	sadd.s32 $0x40, s30;
	[tilespmem:s24+$0xFFFFFFF0] =	vst v11;
	v4 =	vbroadcast v4, $0x0;
	v7 =	vadd.s32 v0, v5;
	v5 =	vand.u32 $0x1FFF, v8  }
.LBB2_2:
0x1b: {  	s25 =	sadd.s32 $0xFFFFFFF0, s28;
	v8 =	vmov s28;
	s26 =	sadd.s32 $0x4, s26;
	v6 =	vadd.s32 v0, v6;
	v7 =	vand.u32 $0x1FFF, v7;
	s24 =	sadd.s32 $0x40, s24  }
0x1c: {  	s29 =	sadd.s32 $0xFFFFFFD0, s28;
	s30 =	sadd.s32 $0xFFFFFFE0, s28;
	v4 =	vadd.s32 v0, v4;
	v9 =	vmov s25;
	v8 =	vmul.u32 $0x9E3779B9, v8;
	p0 =	slt.u32 s26, $0x1C;
	[tilespmem:s24+$0x0] =	vst v7  }
.Ltmp0:
0x1d: {  	v7 =	vmov s29;
	v10 =	vmov s30;
	v9 =	vmul.u32 $0x9E3779B9, v9;
	[tilespmem:s24+$0x10] =	vst v5;
	(pc) =	sbr.rel @p0 .LBB2_2-.Ltmp0, $4  }
0x1e: {  	v5 =	vmul.u32 $0x9E3779B9, v7;
	v7 =	vmul.u32 $0x9E3779B9, v10;
	v8 =	vbroadcast v8, $0x0  }
0x1f: {  	v11 =	vand.u32 $0x1FFF, v4;
	v10 =	vand.u32 $0x1FFF, v6;
	v9 =	vbroadcast v9, $0x0  }
0x20: {  	v6 =	vbroadcast v5, $0x0;
	v4 =	vbroadcast v7, $0x0;
	v5 =	vadd.s32 v0, v8;
	[tilespmem:s24+$0xFFFFFFE0] =	vst v10  }
0x21: {  	s28 =	sadd.s32 $0x40, s28;
	s25 =	simm.s32 $0x0;
	v7 =	vadd.s32 v0, v9;
	v5 =	vand.u32 $0x1FFF, v5;
	[tilespmem:s24+$0xFFFFFFF0] =	vst v11  }
0x22: {  	v7 =	vand.u32 $0x1FFF, v7;
	s24 =	sadd.s32 $0x40, s24  }
0x23: {  	v6 =	vadd.s32 v0, v6;
	[tilespmem:s24+$0x0] =	vst v7  }
0x24: {  	v4 =	vadd.s32 v0, v4;
	[tilespmem:s24+$0x10] =	vst v5;
	v5 =	vand.u32 $0x1FFF, v6  }
0x25: {  	v4 =	vand.u32 $0x1FFF, v4;
	[tilespmem:s24+$0xFFFFFFE0] =	vst v5  }
0x26: {  	[tilespmem:s24+$0xFFFFFFF0] =	vst v4;
	s24 =	smov.u32 s8  }
.LBB2_4:
0x27: {  	s26 =	sshra.s32 s25, $0x2  }
0x28: {  	v4 =	vld [tilespmem:s26+$0x0];
	_ =	sdelay $0x4  }
0x29: {  	v5 =	vshrl.u32 v4, $0x3  }
0x2a: {  	v5 =	vmul.u32 $0x30, v5  }
0x2b: {  	v4 =	vand.u32 $0x7, v4  }
0x2c: {  	v4 =	vor.u32 v4, v5  }
0x2d: {  	v5 =	vperm.xlane v4, v1;
	_ =	sdelay $0x1  }
0x2e: {  	v5 =	vadd.s32 v2, v5;
	_ =	sdelay $0x3  }
0x2f: {  	v4 =	vperm.xlane v4, v3  }
0x30: {  	[tilespmem:s9], [sflag:$0x1] =	stream.indirect_vreg.gather [hbm4b:s2+s3], $0x80, v5, vm0, $0xb8;
	[tilespmem:$0x6200] =	vst v63  }
0x31: {  	v4 =	vadd.s32 v2, v4  }
0x32: {  	[tilespmem:s10], [sflag:$0x1] =	stream.indirect_vreg.gather [hbm4b:s4+s3], $0x80, v5, vm0, $0xb8;
	[tilespmem:$0x6200] =	vst v63  }
0x33: {  	_ = 	snop  }
0x34: {  	[tilespmem:s11], [sflag:$0x1] =	stream.indirect_vreg.gather [hbm4b:s5+s3], $0x80, v5, vm0, $0xb8;
	[tilespmem:$0x6200] =	vst v63  }
0x35: {  	_ = 	snop  }
0x36: {  	[tilespmem:s12], [sflag:$0x1] =	stream.indirect_vreg.gather [hbm4b:s2+s3], $0x80, v4, vm0, $0xb8;
	[tilespmem:$0x6200] =	vst v63  }
0x37: {  	_ = 	snop  }
0x38: {  	[tilespmem:s13], [sflag:$0x1] =	stream.indirect_vreg.gather [hbm4b:s4+s3], $0x80, v4, vm0, $0xb8;
	[tilespmem:$0x6200] =	vst v63  }
0x39: {  	_ = 	snop  }
0x3a: {  	[tilespmem:s14], [sflag:$0x1] =	stream.indirect_vreg.gather [hbm4b:s5+s3], $0x80, v4, vm0, $0xb8;
	[tilespmem:$0x6200] =	vst v63  }
0x3b: {  	v4 =	vld [tilespmem:s26+$0x10];
	_ =	sdelay $0x4  }
0x3c: {  	v5 =	vshrl.u32 v4, $0x3  }
0x3d: {  	v5 =	vmul.u32 $0x30, v5  }
0x3e: {  	v4 =	vand.u32 $0x7, v4  }
0x3f: {  	v4 =	vor.u32 v4, v5  }
0x40: {  	v5 =	vperm.xlane v4, v1;
	_ =	sdelay $0x1  }
0x41: {  	v5 =	vadd.s32 v2, v5;
	_ =	sdelay $0x3  }
0x42: {  	v4 =	vperm.xlane v4, v3  }
0x43: {  	[tilespmem:s15], [sflag:$0x1] =	stream.indirect_vreg.gather [hbm4b:s2+s3], $0x80, v5, vm0, $0xb8;
	[tilespmem:$0x6200] =	vst v63  }
0x44: {  	v4 =	vadd.s32 v2, v4  }
0x45: {  	[tilespmem:s16], [sflag:$0x1] =	stream.indirect_vreg.gather [hbm4b:s4+s3], $0x80, v5, vm0, $0xb8;
	[tilespmem:$0x6200] =	vst v63  }
0x46: {  	_ = 	snop  }
0x47: {  	[tilespmem:s17], [sflag:$0x1] =	stream.indirect_vreg.gather [hbm4b:s5+s3], $0x80, v5, vm0, $0xb8;
	[tilespmem:$0x6200] =	vst v63  }
0x48: {  	_ = 	snop  }
0x49: {  	[tilespmem:s18], [sflag:$0x1] =	stream.indirect_vreg.gather [hbm4b:s2+s3], $0x80, v4, vm0, $0xb8;
	[tilespmem:$0x6200] =	vst v63  }
0x4a: {  	_ = 	snop  }
0x4b: {  	[tilespmem:s19], [sflag:$0x1] =	stream.indirect_vreg.gather [hbm4b:s4+s3], $0x80, v4, vm0, $0xb8;
	[tilespmem:$0x6200] =	vst v63  }
0x4c: {  	_ = 	snop  }
0x4d: {  	[tilespmem:s20], [sflag:$0x1] =	stream.indirect_vreg.gather [hbm4b:s5+s3], $0x80, v4, vm0, $0xb8;
	[tilespmem:$0x6200] =	vst v63  }
0x4e: {  	_ =	swait.ge [sflag:s21], $0x6000  }
0x4f: {  	p0 =	sne.s32 s25, $0x780;
	[sflag:s21] =	ssyncset.done $0x0  }
.Ltmp1:
0x50: {  	[sflag:s21] =	ssyncadd.s32 $0xFFFFA000;
	(pc) =	sbr.rel @p0 .LBB2_4-.Ltmp1, $4  }
0x51: {  	[hbm4b:s24+s3] =	stream.linear.scatter [tilespmem:s9], [sflag:$0x2], $0x6000, $0x38;
	[tilespmem:$0x6200] =	vst v63  }
0x52: {  	_ =	swait.ge [sflag:s22], $0x6000  }
0x53: {  	[sflag:s22] =	ssyncset.done $0x0  }
0x54: {  	s25 =	sadd.s32 $0x80, s25;
	s24 =	sadd.s32 $0xC00, s24;
	[sflag:s22] =	ssyncadd.s32 $0xFFFFA000  }
0x55: {  	s23 =	sadd.s32 $0x1, s23  }
0x56: {  	p0 =	sne.s32 s23, s6  }
.Ltmp2:
0x57: {  	_ = 	snop;
	(pc) =	sbr.rel @p0 .LBB2_1-.Ltmp2, $1  }
0x58: {  	_ =	sdelay $0x3  }
0x59: {  	_ =	sfence.sel $0x180000  }
0x5a: {  	[bflag:$0x0] =	sbarrier.arrive $0xFFFF  }
0x5b: {  	p0 =	sne.s32 s0, $0x0;
	_ =	strace $0x90000047  }
0x5c: {  	s0 =	sadd.s32 @!p0 $0x100000, s1;
	[bflag:$0x2] =	sbarrier.arrive $0xFFFF  }
0x5d: {  	[sflag:s0] =	ssyncadd.tile.s32 @!p0 $0x1;
	_ =	shalt  }
.Lfunc_end2:
_tile_overlayer_lowered:
.L_overlay_start_2:
0x5e: {  	(tag) =	ssettag $0x2  }
0x5f: {  	s0 =	rddreg [dreg:$0x0];
	s2 =	stileid.u32  }
0x60: {  	s1 =	rddreg [dreg:$0x1];
	p0 =	sne.s32 s2, $0x0  }
0x61: {  	s3 =	rddreg [dreg:$0x2];
	[bflag:$0x3] =	sbarrier.arrive $0xFFFF;
	s2 =	simm.s32 @!p0 $0x1C02  }
0x62: {  	[timem:s3], [sflag:s2] =	dma.local @!p0 [hbm:s0], s1  }
0x63: {  	s0 =	simm.s32 @!p0 $0x2  }
0x64: {  	_ =	swait.ge @!p0 [sflag:s0], s1  }
0x65: {  	s1 =	ssub.s32 @!p0 $0x0, s1;
	[sflag:s0] =	ssyncset.done @!p0 $0x0  }
0x66: {  	[sflag:s0] =	ssyncadd.s32 @!p0 s1  }
0x67: {  	[bflag:$0x3] =	sbarrier.arrive $0xFFFF  }
0x68: {  	_ =	shalt  }

</sc_bundles>
